<compile_context>
chip_gen: v7x
topology: tpu7x:2x2x1
jax: 0.10.2.dev20260603
libtpu: 0.0.44.dev20260713+nightly
codegen_flags: <defaults>
</compile_context>

<pallas_src>
import functools

import jax
import jax.numpy as jnp
from jax import lax
from jax.experimental import pallas as pl
from jax.experimental.pallas import tpu as pltpu
from jax.experimental.pallas import tpu_sc as plsc

B = 16384
WIDE_DIM = 128
F = 26
V = 100000
D = 32
N = B * F

NC = 2
NS = 16
NW = NC * NS
PER_W = N // NW
SUB = 128
CHUNK = 1024
KSUB = CHUNK // SUB
NSTEP = PER_W // CHUNK


def _gather_body(table_hbm, idx_hbm, out_hbm, idx_v, rows_v, sem):
    wid = lax.axis_index("s") * NC + lax.axis_index("c")
    row0 = wid * PER_W

    def step(i, _):
        base = pl.multiple_of(row0 + i * CHUNK, CHUNK)
        pltpu.sync_copy(
            idx_hbm.at[pl.ds(pl.multiple_of(base // SUB, KSUB), KSUB)], idx_v)
        handles = []
        for j in range(KSUB):
            handles.append(pltpu.async_copy(
                table_hbm.at[idx_v.at[j]],
                rows_v.at[pl.ds(j * SUB, SUB)],
                sem,
            ))
        for h in handles:
            h.wait()
        pltpu.sync_copy(rows_v, out_hbm.at[pl.ds(base, CHUNK)])
        return 0

    lax.fori_loop(0, NSTEP, step, 0)


_gather = functools.partial(
    pl.kernel,
    out_type=jax.ShapeDtypeStruct((N, D), jnp.float32),
    mesh=plsc.VectorSubcoreMesh(core_axis_name="c", subcore_axis_name="s"),
    compiler_params=pltpu.CompilerParams(use_tc_tiling_on_sc=False),
    scratch_types=[
        pltpu.VMEM((KSUB, SUB), jnp.int32),
        pltpu.VMEM((CHUNK, D), jnp.float32),
        pltpu.SemaphoreType.DMA,
    ],
)(_gather_body)


def _mlp_body(xw_ref, e_ref, w1_ref, b1_ref, w2_ref, b2_ref, w3_ref, b3_ref,
              wo_ref, bo_ref, out_ref):
    f32 = jnp.float32
    bf = jnp.bfloat16
    e = e_ref[...].astype(bf)
    h = jnp.dot(e, w1_ref[...].astype(bf), preferred_element_type=f32)
    h = jnp.maximum(h + b1_ref[...], 0.0).astype(bf)
    h = jnp.dot(h, w2_ref[...].astype(bf), preferred_element_type=f32)
    h = jnp.maximum(h + b2_ref[...], 0.0).astype(bf)
    h = jnp.dot(h, w3_ref[...].astype(bf), preferred_element_type=f32)
    h = jnp.maximum(h + b3_ref[...], 0.0)
    wo = wo_ref[...]
    logit = (jnp.dot(xw_ref[...], wo[:WIDE_DIM], preferred_element_type=f32)
             + jnp.dot(h, wo[WIDE_DIM:], preferred_element_type=f32)
             + bo_ref[...])
    out_ref[...] = jax.nn.sigmoid(logit)


BM = 1024


def _mlp(xw, e, w1, b1, w2, b2, w3, b3, wo, bo):
    in_dim = F * D
    full = lambda r, c: pl.BlockSpec((r, c), lambda i: (0, 0))
    return pl.pallas_call(
        _mlp_body,
        grid=(B // BM,),
        in_specs=[
            pl.BlockSpec((BM, WIDE_DIM), lambda i: (i, 0)),
            pl.BlockSpec((BM, in_dim), lambda i: (i, 0)),
            full(in_dim, 512), full(1, 512),
            full(512, 256), full(1, 256),
            full(256, 128), full(1, 128),
            full(128 + WIDE_DIM, 1), full(1, 1),
        ],
        out_specs=pl.BlockSpec((BM, 1), lambda i: (i, 0)),
        out_shape=jax.ShapeDtypeStruct((B, 1), jnp.float32),
    )(xw, e, w1, b1, w2, b2, w3, b3, wo, bo)


def kernel(x_wide, x_deep, tables, wide_W, wide_b, W1, b1, W2, b2, W3, b3,
           Wout, bout):
    del wide_W, wide_b
    flat_idx = (x_deep + jnp.arange(F, dtype=jnp.int32)[None, :] * V)
    flat_idx = flat_idx.reshape(N // SUB, SUB)
    table2d = tables.reshape(F * V, D)
    emb = _gather(table2d, flat_idx)
    e = emb.reshape(B, F * D)
    return _mlp(x_wide, e, W1.reshape(F * D, 512), b1.reshape(1, 512),
                W2, b2.reshape(1, 256), W3, b3.reshape(1, 128),
                Wout, bout.reshape(1, 1))

# --- scband reference (transcript-rebuilt; emitter-appended) ---
"""Pipeline reference for scband-wide-and-deep-model-82703890252503 (READ-ONLY COPY).

The authoritative reference and input builder live on the scoring server;
editing this copy changes nothing except your own understanding.
"""

import jax, jax.numpy as jnp
import numpy as np

B = 16384
WIDE_DIM = 128
F = 26
V = 100000
D = 32
DEEP_LAYERS = [512, 256, 128]


def setup_inputs(seed: int = 0) -> dict:
    key = jax.random.key(seed)
    ks = jax.random.split(key, 16)
    x_wide = jax.random.normal(ks[0], (B, WIDE_DIM), dtype=jnp.float32)
    x_deep = jax.random.randint(ks[1], (B, F), 0, V, dtype=jnp.int32)
    # learned parameters
    tables = jax.random.normal(ks[2], (F, V, D), dtype=jnp.float32) * 0.02  # stacked embedding tables (all same vocab/dim)
    wide_W = jax.random.normal(ks[3], (WIDE_DIM, 1), dtype=jnp.float32) * 0.02
    wide_b = jnp.zeros((1,), dtype=jnp.float32)
    in_dim = F * D
    W1 = jax.random.normal(ks[4], (in_dim, DEEP_LAYERS[0]), dtype=jnp.float32) * 0.02
    b1 = jnp.zeros((DEEP_LAYERS[0],), dtype=jnp.float32)
    W2 = jax.random.normal(ks[5], (DEEP_LAYERS[0], DEEP_LAYERS[1]), dtype=jnp.float32) * 0.02
    b2 = jnp.zeros((DEEP_LAYERS[1],), dtype=jnp.float32)
    W3 = jax.random.normal(ks[6], (DEEP_LAYERS[1], DEEP_LAYERS[2]), dtype=jnp.float32) * 0.02
    b3 = jnp.zeros((DEEP_LAYERS[2],), dtype=jnp.float32)
    Wout = jax.random.normal(ks[7], (DEEP_LAYERS[2] + WIDE_DIM, 1), dtype=jnp.float32) * 0.02
    bout = jnp.zeros((1,), dtype=jnp.float32)
    return {"x_wide": x_wide, "x_deep": x_deep, "tables": tables,
            "wide_W": wide_W, "wide_b": wide_b,
            "W1": W1, "b1": b1, "W2": W2, "b2": b2, "W3": W3, "b3": b3,
            "Wout": Wout, "bout": bout}


def reference(x_wide, x_deep, tables, wide_W, wide_b, W1, b1, W2, b2, W3, b3, Wout, bout):
    # wide component (computed as in the torch module, though unused downstream)
    wide_output = x_wide @ wide_W + wide_b
    # deep component: per-field embedding lookup -> concat
    field_idx = jnp.arange(tables.shape[0])[None, :]  # [1, F]
    emb = tables[field_idx, x_deep]                   # [B, F, D] gather
    concatenated = emb.reshape(emb.shape[0], -1)      # [B, F*D]
    h = jax.nn.relu(concatenated @ W1 + b1)
    h = jax.nn.relu(h @ W2 + b2)
    h = jax.nn.relu(h @ W3 + b3)
    # dropout is identity at inference
    combined = jnp.concatenate([x_wide, h], axis=1)
    final_output = combined @ Wout + bout
    del wide_output  # faithful to torch forward: wide_output is computed but not used
    return jax.nn.sigmoid(final_output)

if __name__ == "__main__":
    import jax
    _d = setup_inputs()
    print(jax.jit(kernel)(*tuple(_d.values())))

</pallas_src>

<mosaic_0001>
#map = affine_map<(d0, d1) -> (0, 0)>
module attributes {stable_mosaic.version = 14 : i64} {
  func.func @_gather_body(%arg0: i32, %arg1: i32, %arg2: memref<2600000x32xf32, #tpu.memory_space<hbm>>, %arg3: memref<3328x128xi32, #tpu.memory_space<hbm>>, %arg4: memref<425984x32xf32, #tpu.memory_space<hbm>>, %arg5: memref<8x128xi32, #tpu.memory_space<vmem>>, %arg6: memref<1024x32xf32, #tpu.memory_space<vmem>>, %arg7: memref<!tpu.dma_semaphore, #tpu.memory_space<semaphore_mem>>) attributes {dimension_semantics = [#tpu.dimension_semantics<core_parallel>, #tpu.dimension_semantics<subcore_parallel>], iteration_bounds = array<i64: 2, 16>, scalar_prefetch = 0 : i64, scratch_operands = 3 : i64, tpu.core_type = #tpu.core_type<sc_vector_subcore>, window_params = [{transform_indices = #map}, {transform_indices = #map}, {transform_indices = #map}]} {
    %mul3A = arith.constant 2 : i32
    %mul3A_0 = arith.muli %arg1, %mul3A : i32
    %add3A = arith.addi %mul3A_0, %arg0 : i32
    %mul3A_1 = arith.constant 13312 : i32
    %mul3A_2 = arith.muli %add3A, %mul3A_1 : i32
    %scan3A = arith.constant 0 : i32
    %scan3A_3 = arith.constant 0 : i32
    %scan3A_4 = arith.constant 13 : i32
    %scan3A_5 = arith.addi %scan3A_3, %scan3A_4 : i32
    %scan3A_6 = arith.constant 1 : i32
    %scan3A_7 = scf.for %scan3A_9 = %scan3A_3 to %scan3A_5 step %scan3A_6 iter_args(%scan3A_10 = %scan3A) -> (i32)  : i32 {
      %mul3A_11 = arith.constant 1024 : i32
      %mul3A_12 = arith.muli %scan3A_9, %mul3A_11 : i32
      %add3A_13 = arith.addi %mul3A_2, %mul3A_12 : i32
      %multiple_of3A = tpu.assume_multiple %add3A_13, 1024 : i32
      %jit3A = arith.constant 128 : i32
      %div3A = arith.divsi %multiple_of3A, %jit3A : i32
      %sign3A = arith.constant 0 : i32
      %sign3A_14 = arith.cmpi sgt, %multiple_of3A, %sign3A : i32
      %sign3A_15 = arith.extui %sign3A_14 : i1 to i32
      %sign3A_16 = arith.constant 0 : i32
      %sign3A_17 = arith.cmpi slt, %multiple_of3A, %sign3A_16 : i32
      %sign3A_18 = arith.extui %sign3A_17 : i1 to i32
      %sign3A_19 = arith.subi %sign3A_15, %sign3A_18 : i32
      %sign3A_20 = arith.constant 0 : i32
      %sign3A_21 = arith.cmpi sgt, %jit3A, %sign3A_20 : i32
      %sign3A_22 = arith.extui %sign3A_21 : i1 to i32
      %sign3A_23 = arith.constant 0 : i32
      %sign3A_24 = arith.cmpi slt, %jit3A, %sign3A_23 : i32
      %sign3A_25 = arith.extui %sign3A_24 : i1 to i32
      %sign3A_26 = arith.subi %sign3A_22, %sign3A_25 : i32
      %ne3A = arith.cmpi ne, %sign3A_19, %sign3A_26 : i32
      %rem3A = arith.remsi %multiple_of3A, %jit3A : i32
      %ne3A_27 = arith.constant 0 : i32
      %ne3A_28 = arith.cmpi ne, %rem3A, %ne3A_27 : i32
      %and3A = arith.andi %ne3A, %ne3A_28 : i1
      %sub3A = arith.constant 1 : i32
      %sub3A_29 = arith.subi %div3A, %sub3A : i32
      %select_n3A = arith.select %and3A, %sub3A_29, %div3A : i32
      %multiple_of3A_30 = tpu.assume_multiple %select_n3A, 8 : i32
      "tpu.region"() ({
        %run_scoped3A = tpu.sem_alloc : memref<!tpu.dma_semaphore, #tpu.memory_space<semaphore_mem>>
        %dma_start3A_190 = arith.constant 0 : i32
        %dma_start3A_191 = tpu.memref_slice %arg3[%multiple_of3A_30, %dma_start3A_190] : memref<3328x128xi32, #tpu.memory_space<hbm>> -> memref<8x128xi32, #tpu.memory_space<hbm>>
        %dma_start3A_192 = arith.constant 0 : i32
        %dma_start3A_193 = tpu.memref_slice %arg3[%multiple_of3A_30, %dma_start3A_192] : memref<3328x128xi32, #tpu.memory_space<hbm>> -> memref<8x128xi32, #tpu.memory_space<hbm>>
        tpu.enqueue_dma source(%dma_start3A_193 : memref<8x128xi32, #tpu.memory_space<hbm>>) target(%arg5 : memref<8x128xi32, #tpu.memory_space<vmem>>) target_semaphore(%run_scoped3A : memref<!tpu.dma_semaphore, #tpu.memory_space<semaphore_mem>>)
        %dma_wait3A_194 = arith.constant 0 : i32
        %dma_wait3A_195 = tpu.memref_slice %arg3[%multiple_of3A_30, %dma_wait3A_194] : memref<3328x128xi32, #tpu.memory_space<hbm>> -> memref<8x128xi32, #tpu.memory_space<hbm>>
        %dma_wait3A_196 = arith.constant 0 : i32
        %dma_wait3A_197 = tpu.memref_slice %arg3[%multiple_of3A_30, %dma_wait3A_196] : memref<3328x128xi32, #tpu.memory_space<hbm>> -> memref<8x128xi32, #tpu.memory_space<hbm>>
        tpu.wait_dma2 semaphore(%run_scoped3A : memref<!tpu.dma_semaphore, #tpu.memory_space<semaphore_mem>>) src(%dma_wait3A_197 : memref<8x128xi32, #tpu.memory_space<hbm>>) dst(%arg5 : memref<8x128xi32, #tpu.memory_space<vmem>>)
        tpu.yield
      }) : () -> ()
      %dma_start3A = arith.constant 0 : i32
      %dma_start3A_31 = arith.constant 0 : i32
      %dma_start3A_32 = arith.constant 0 : i32
      %dma_start3A_33 = tpu.memref_slice %arg6[%dma_start3A_31, %dma_start3A_32] : memref<1024x32xf32, #tpu.memory_space<vmem>> -> memref<128x32xf32, #tpu.memory_space<vmem>>
      %dma_start3A_34 = arith.constant 0 : i32
      %dma_start3A_35 = tpu.memref_slice %arg5[%dma_start3A, %dma_start3A_34] : memref<8x128xi32, #tpu.memory_space<vmem>> -> memref<1x128xi32, #tpu.memory_space<vmem>>
      %dma_start3A_36 = tpu.memref_squeeze %dma_start3A_35 : memref<1x128xi32, #tpu.memory_space<vmem>> -> memref<128xi32, #tpu.memory_space<vmem>>
      %dma_start3A_37 = arith.constant 0 : i32
      %dma_start3A_38 = arith.constant 0 : i32
      %dma_start3A_39 = tpu.memref_slice %arg2[%dma_start3A_37, %dma_start3A_38] : memref<2600000x32xf32, #tpu.memory_space<hbm>> -> memref<2600000x32xf32, #tpu.memory_space<hbm>>
      tpu.enqueue_indirect_dma source(%dma_start3A_39 : memref<2600000x32xf32, #tpu.memory_space<hbm>>) target(%dma_start3A_33 : memref<128x32xf32, #tpu.memory_space<vmem>>) offsets(%dma_start3A_36 : memref<128xi32, #tpu.memory_space<vmem>>) semaphore(%arg7 : memref<!tpu.dma_semaphore, #tpu.memory_space<semaphore_mem>>)
      %dma_start3A_40 = arith.constant 1 : i32
      %dma_start3A_41 = arith.constant 128 : i32
      %dma_start3A_42 = arith.constant 0 : i32
      %dma_start3A_43 = tpu.memref_slice %arg6[%dma_start3A_41, %dma_start3A_42] : memref<1024x32xf32, #tpu.memory_space<vmem>> -> memref<128x32xf32, #tpu.memory_space<vmem>>
      %dma_start3A_44 = arith.constant 0 : i32
      %dma_start3A_45 = tpu.memref_slice %arg5[%dma_start3A_40, %dma_start3A_44] : memref<8x128xi32, #tpu.memory_space<vmem>> -> memref<1x128xi32, #tpu.memory_space<vmem>>
      %dma_start3A_46 = tpu.memref_squeeze %dma_start3A_45 : memref<1x128xi32, #tpu.memory_space<vmem>> -> memref<128xi32, #tpu.memory_space<vmem>>
      %dma_start3A_47 = arith.constant 0 : i32
      %dma_start3A_48 = arith.constant 0 : i32
      %dma_start3A_49 = tpu.memref_slice %arg2[%dma_start3A_47, %dma_start3A_48] : memref<2600000x32xf32, #tpu.memory_space<hbm>> -> memref<2600000x32xf32, #tpu.memory_space<hbm>>
      tpu.enqueue_indirect_dma source(%dma_start3A_49 : memref<2600000x32xf32, #tpu.memory_space<hbm>>) target(%dma_start3A_43 : memref<128x32xf32, #tpu.memory_space<vmem>>) offsets(%dma_start3A_46 : memref<128xi32, #tpu.memory_space<vmem>>) semaphore(%arg7 : memref<!tpu.dma_semaphore, #tpu.memory_space<semaphore_mem>>)
      %dma_start3A_50 = arith.constant 2 : i32
      %dma_start3A_51 = arith.constant 256 : i32
      %dma_start3A_52 = arith.constant 0 : i32
      %dma_start3A_53 = tpu.memref_slice %arg6[%dma_start3A_51, %dma_start3A_52] : memref<1024x32xf32, #tpu.memory_space<vmem>> -> memref<128x32xf32, #tpu.memory_space<vmem>>
      %dma_start3A_54 = arith.constant 0 : i32
      %dma_start3A_55 = tpu.memref_slice %arg5[%dma_start3A_50, %dma_start3A_54] : memref<8x128xi32, #tpu.memory_space<vmem>> -> memref<1x128xi32, #tpu.memory_space<vmem>>
      %dma_start3A_56 = tpu.memref_squeeze %dma_start3A_55 : memref<1x128xi32, #tpu.memory_space<vmem>> -> memref<128xi32, #tpu.memory_space<vmem>>
      %dma_start3A_57 = arith.constant 0 : i32
      %dma_start3A_58 = arith.constant 0 : i32
      %dma_start3A_59 = tpu.memref_slice %arg2[%dma_start3A_57, %dma_start3A_58] : memref<2600000x32xf32, #tpu.memory_space<hbm>> -> memref<2600000x32xf32, #tpu.memory_space<hbm>>
      tpu.enqueue_indirect_dma source(%dma_start3A_59 : memref<2600000x32xf32, #tpu.memory_space<hbm>>) target(%dma_start3A_53 : memref<128x32xf32, #tpu.memory_space<vmem>>) offsets(%dma_start3A_56 : memref<128xi32, #tpu.memory_space<vmem>>) semaphore(%arg7 : memref<!tpu.dma_semaphore, #tpu.memory_space<semaphore_mem>>)
      %dma_start3A_60 = arith.constant 3 : i32
      %dma_start3A_61 = arith.constant 384 : i32
      %dma_start3A_62 = arith.constant 0 : i32
      %dma_start3A_63 = tpu.memref_slice %arg6[%dma_start3A_61, %dma_start3A_62] : memref<1024x32xf32, #tpu.memory_space<vmem>> -> memref<128x32xf32, #tpu.memory_space<vmem>>
      %dma_start3A_64 = arith.constant 0 : i32
      %dma_start3A_65 = tpu.memref_slice %arg5[%dma_start3A_60, %dma_start3A_64] : memref<8x128xi32, #tpu.memory_space<vmem>> -> memref<1x128xi32, #tpu.memory_space<vmem>>
      %dma_start3A_66 = tpu.memref_squeeze %dma_start3A_65 : memref<1x128xi32, #tpu.memory_space<vmem>> -> memref<128xi32, #tpu.memory_space<vmem>>
      %dma_start3A_67 = arith.constant 0 : i32
      %dma_start3A_68 = arith.constant 0 : i32
      %dma_start3A_69 = tpu.memref_slice %arg2[%dma_start3A_67, %dma_start3A_68] : memref<2600000x32xf32, #tpu.memory_space<hbm>> -> memref<2600000x32xf32, #tpu.memory_space<hbm>>
      tpu.enqueue_indirect_dma source(%dma_start3A_69 : memref<2600000x32xf32, #tpu.memory_space<hbm>>) target(%dma_start3A_63 : memref<128x32xf32, #tpu.memory_space<vmem>>) offsets(%dma_start3A_66 : memref<128xi32, #tpu.memory_space<vmem>>) semaphore(%arg7 : memref<!tpu.dma_semaphore, #tpu.memory_space<semaphore_mem>>)
      %dma_start3A_70 = arith.constant 4 : i32
      %dma_start3A_71 = arith.constant 512 : i32
      %dma_start3A_72 = arith.constant 0 : i32
      %dma_start3A_73 = tpu.memref_slice %arg6[%dma_start3A_71, %dma_start3A_72] : memref<1024x32xf32, #tpu.memory_space<vmem>> -> memref<128x32xf32, #tpu.memory_space<vmem>>
      %dma_start3A_74 = arith.constant 0 : i32
      %dma_start3A_75 = tpu.memref_slice %arg5[%dma_start3A_70, %dma_start3A_74] : memref<8x128xi32, #tpu.memory_space<vmem>> -> memref<1x128xi32, #tpu.memory_space<vmem>>
      %dma_start3A_76 = tpu.memref_squeeze %dma_start3A_75 : memref<1x128xi32, #tpu.memory_space<vmem>> -> memref<128xi32, #tpu.memory_space<vmem>>
      %dma_start3A_77 = arith.constant 0 : i32
      %dma_start3A_78 = arith.constant 0 : i32
      %dma_start3A_79 = tpu.memref_slice %arg2[%dma_start3A_77, %dma_start3A_78] : memref<2600000x32xf32, #tpu.memory_space<hbm>> -> memref<2600000x32xf32, #tpu.memory_space<hbm>>
      tpu.enqueue_indirect_dma source(%dma_start3A_79 : memref<2600000x32xf32, #tpu.memory_space<hbm>>) target(%dma_start3A_73 : memref<128x32xf32, #tpu.memory_space<vmem>>) offsets(%dma_start3A_76 : memref<128xi32, #tpu.memory_space<vmem>>) semaphore(%arg7 : memref<!tpu.dma_semaphore, #tpu.memory_space<semaphore_mem>>)
      %dma_start3A_80 = arith.constant 5 : i32
      %dma_start3A_81 = arith.constant 640 : i32
      %dma_start3A_82 = arith.constant 0 : i32
      %dma_start3A_83 = tpu.memref_slice %arg6[%dma_start3A_81, %dma_start3A_82] : memref<1024x32xf32, #tpu.memory_space<vmem>> -> memref<128x32xf32, #tpu.memory_space<vmem>>
      %dma_start3A_84 = arith.constant 0 : i32
      %dma_start3A_85 = tpu.memref_slice %arg5[%dma_start3A_80, %dma_start3A_84] : memref<8x128xi32, #tpu.memory_space<vmem>> -> memref<1x128xi32, #tpu.memory_space<vmem>>
      %dma_start3A_86 = tpu.memref_squeeze %dma_start3A_85 : memref<1x128xi32, #tpu.memory_space<vmem>> -> memref<128xi32, #tpu.memory_space<vmem>>
      %dma_start3A_87 = arith.constant 0 : i32
      %dma_start3A_88 = arith.constant 0 : i32
      %dma_start3A_89 = tpu.memref_slice %arg2[%dma_start3A_87, %dma_start3A_88] : memref<2600000x32xf32, #tpu.memory_space<hbm>> -> memref<2600000x32xf32, #tpu.memory_space<hbm>>
      tpu.enqueue_indirect_dma source(%dma_start3A_89 : memref<2600000x32xf32, #tpu.memory_space<hbm>>) target(%dma_start3A_83 : memref<128x32xf32, #tpu.memory_space<vmem>>) offsets(%dma_start3A_86 : memref<128xi32, #tpu.memory_space<vmem>>) semaphore(%arg7 : memref<!tpu.dma_semaphore, #tpu.memory_space<semaphore_mem>>)
      %dma_start3A_90 = arith.constant 6 : i32
      %dma_start3A_91 = arith.constant 768 : i32
      %dma_start3A_92 = arith.constant 0 : i32
      %dma_start3A_93 = tpu.memref_slice %arg6[%dma_start3A_91, %dma_start3A_92] : memref<1024x32xf32, #tpu.memory_space<vmem>> -> memref<128x32xf32, #tpu.memory_space<vmem>>
      %dma_start3A_94 = arith.constant 0 : i32
      %dma_start3A_95 = tpu.memref_slice %arg5[%dma_start3A_90, %dma_start3A_94] : memref<8x128xi32, #tpu.memory_space<vmem>> -> memref<1x128xi32, #tpu.memory_space<vmem>>
      %dma_start3A_96 = tpu.memref_squeeze %dma_start3A_95 : memref<1x128xi32, #tpu.memory_space<vmem>> -> memref<128xi32, #tpu.memory_space<vmem>>
      %dma_start3A_97 = arith.constant 0 : i32
      %dma_start3A_98 = arith.constant 0 : i32
      %dma_start3A_99 = tpu.memref_slice %arg2[%dma_start3A_97, %dma_start3A_98] : memref<2600000x32xf32, #tpu.memory_space<hbm>> -> memref<2600000x32xf32, #tpu.memory_space<hbm>>
      tpu.enqueue_indirect_dma source(%dma_start3A_99 : memref<2600000x32xf32, #tpu.memory_space<hbm>>) target(%dma_start3A_93 : memref<128x32xf32, #tpu.memory_space<vmem>>) offsets(%dma_start3A_96 : memref<128xi32, #tpu.memory_space<vmem>>) semaphore(%arg7 : memref<!tpu.dma_semaphore, #tpu.memory_space<semaphore_mem>>)
      %dma_start3A_100 = arith.constant 7 : i32
      %dma_start3A_101 = arith.constant 896 : i32
      %dma_start3A_102 = arith.constant 0 : i32
      %dma_start3A_103 = tpu.memref_slice %arg6[%dma_start3A_101, %dma_start3A_102] : memref<1024x32xf32, #tpu.memory_space<vmem>> -> memref<128x32xf32, #tpu.memory_space<vmem>>
      %dma_start3A_104 = arith.constant 0 : i32
      %dma_start3A_105 = tpu.memref_slice %arg5[%dma_start3A_100, %dma_start3A_104] : memref<8x128xi32, #tpu.memory_space<vmem>> -> memref<1x128xi32, #tpu.memory_space<vmem>>
      %dma_start3A_106 = tpu.memref_squeeze %dma_start3A_105 : memref<1x128xi32, #tpu.memory_space<vmem>> -> memref<128xi32, #tpu.memory_space<vmem>>
      %dma_start3A_107 = arith.constant 0 : i32
      %dma_start3A_108 = arith.constant 0 : i32
      %dma_start3A_109 = tpu.memref_slice %arg2[%dma_start3A_107, %dma_start3A_108] : memref<2600000x32xf32, #tpu.memory_space<hbm>> -> memref<2600000x32xf32, #tpu.memory_space<hbm>>
      tpu.enqueue_indirect_dma source(%dma_start3A_109 : memref<2600000x32xf32, #tpu.memory_space<hbm>>) target(%dma_start3A_103 : memref<128x32xf32, #tpu.memory_space<vmem>>) offsets(%dma_start3A_106 : memref<128xi32, #tpu.memory_space<vmem>>) semaphore(%arg7 : memref<!tpu.dma_semaphore, #tpu.memory_space<semaphore_mem>>)
      %dma_wait3A = arith.constant 0 : i32
      %dma_wait3A_110 = arith.constant 0 : i32
      %dma_wait3A_111 = arith.constant 0 : i32
      %dma_wait3A_112 = tpu.memref_slice %arg6[%dma_wait3A_110, %dma_wait3A_111] : memref<1024x32xf32, #tpu.memory_space<vmem>> -> memref<128x32xf32, #tpu.memory_space<vmem>>
      %dma_wait3A_113 = arith.constant 0 : i32
      %dma_wait3A_114 = tpu.memref_slice %arg5[%dma_wait3A, %dma_wait3A_113] : memref<8x128xi32, #tpu.memory_space<vmem>> -> memref<1x128xi32, #tpu.memory_space<vmem>>
      %dma_wait3A_115 = tpu.memref_squeeze %dma_wait3A_114 : memref<1x128xi32, #tpu.memory_space<vmem>> -> memref<128xi32, #tpu.memory_space<vmem>>
      %dma_wait3A_116 = arith.constant 0 : i32
      %dma_wait3A_117 = arith.constant 0 : i32
      %dma_wait3A_118 = tpu.memref_slice %arg2[%dma_wait3A_116, %dma_wait3A_117] : memref<2600000x32xf32, #tpu.memory_space<hbm>> -> memref<2600000x32xf32, #tpu.memory_space<hbm>>
      tpu.wait_indirect_dma semaphore(%arg7 : memref<!tpu.dma_semaphore, #tpu.memory_space<semaphore_mem>>) src(%dma_wait3A_118 : memref<2600000x32xf32, #tpu.memory_space<hbm>>) dst(%dma_wait3A_112 : memref<128x32xf32, #tpu.memory_space<vmem>>)
      %dma_wait3A_119 = arith.constant 1 : i32
      %dma_wait3A_120 = arith.constant 128 : i32
      %dma_wait3A_121 = arith.constant 0 : i32
      %dma_wait3A_122 = tpu.memref_slice %arg6[%dma_wait3A_120, %dma_wait3A_121] : memref<1024x32xf32, #tpu.memory_space<vmem>> -> memref<128x32xf32, #tpu.memory_space<vmem>>
      %dma_wait3A_123 = arith.constant 0 : i32
      %dma_wait3A_124 = tpu.memref_slice %arg5[%dma_wait3A_119, %dma_wait3A_123] : memref<8x128xi32, #tpu.memory_space<vmem>> -> memref<1x128xi32, #tpu.memory_space<vmem>>
      %dma_wait3A_125 = tpu.memref_squeeze %dma_wait3A_124 : memref<1x128xi32, #tpu.memory_space<vmem>> -> memref<128xi32, #tpu.memory_space<vmem>>
      %dma_wait3A_126 = arith.constant 0 : i32
      %dma_wait3A_127 = arith.constant 0 : i32
      %dma_wait3A_128 = tpu.memref_slice %arg2[%dma_wait3A_126, %dma_wait3A_127] : memref<2600000x32xf32, #tpu.memory_space<hbm>> -> memref<2600000x32xf32, #tpu.memory_space<hbm>>
      tpu.wait_indirect_dma semaphore(%arg7 : memref<!tpu.dma_semaphore, #tpu.memory_space<semaphore_mem>>) src(%dma_wait3A_128 : memref<2600000x32xf32, #tpu.memory_space<hbm>>) dst(%dma_wait3A_122 : memref<128x32xf32, #tpu.memory_space<vmem>>)
      %dma_wait3A_129 = arith.constant 2 : i32
      %dma_wait3A_130 = arith.constant 256 : i32
      %dma_wait3A_131 = arith.constant 0 : i32
      %dma_wait3A_132 = tpu.memref_slice %arg6[%dma_wait3A_130, %dma_wait3A_131] : memref<1024x32xf32, #tpu.memory_space<vmem>> -> memref<128x32xf32, #tpu.memory_space<vmem>>
      %dma_wait3A_133 = arith.constant 0 : i32
      %dma_wait3A_134 = tpu.memref_slice %arg5[%dma_wait3A_129, %dma_wait3A_133] : memref<8x128xi32, #tpu.memory_space<vmem>> -> memref<1x128xi32, #tpu.memory_space<vmem>>
      %dma_wait3A_135 = tpu.memref_squeeze %dma_wait3A_134 : memref<1x128xi32, #tpu.memory_space<vmem>> -> memref<128xi32, #tpu.memory_space<vmem>>
      %dma_wait3A_136 = arith.constant 0 : i32
      %dma_wait3A_137 = arith.constant 0 : i32
      %dma_wait3A_138 = tpu.memref_slice %arg2[%dma_wait3A_136, %dma_wait3A_137] : memref<2600000x32xf32, #tpu.memory_space<hbm>> -> memref<2600000x32xf32, #tpu.memory_space<hbm>>
      tpu.wait_indirect_dma semaphore(%arg7 : memref<!tpu.dma_semaphore, #tpu.memory_space<semaphore_mem>>) src(%dma_wait3A_138 : memref<2600000x32xf32, #tpu.memory_space<hbm>>) dst(%dma_wait3A_132 : memref<128x32xf32, #tpu.memory_space<vmem>>)
      %dma_wait3A_139 = arith.constant 3 : i32
      %dma_wait3A_140 = arith.constant 384 : i32
      %dma_wait3A_141 = arith.constant 0 : i32
      %dma_wait3A_142 = tpu.memref_slice %arg6[%dma_wait3A_140, %dma_wait3A_141] : memref<1024x32xf32, #tpu.memory_space<vmem>> -> memref<128x32xf32, #tpu.memory_space<vmem>>
      %dma_wait3A_143 = arith.constant 0 : i32
      %dma_wait3A_144 = tpu.memref_slice %arg5[%dma_wait3A_139, %dma_wait3A_143] : memref<8x128xi32, #tpu.memory_space<vmem>> -> memref<1x128xi32, #tpu.memory_space<vmem>>
      %dma_wait3A_145 = tpu.memref_squeeze %dma_wait3A_144 : memref<1x128xi32, #tpu.memory_space<vmem>> -> memref<128xi32, #tpu.memory_space<vmem>>
      %dma_wait3A_146 = arith.constant 0 : i32
      %dma_wait3A_147 = arith.constant 0 : i32
      %dma_wait3A_148 = tpu.memref_slice %arg2[%dma_wait3A_146, %dma_wait3A_147] : memref<2600000x32xf32, #tpu.memory_space<hbm>> -> memref<2600000x32xf32, #tpu.memory_space<hbm>>
      tpu.wait_indirect_dma semaphore(%arg7 : memref<!tpu.dma_semaphore, #tpu.memory_space<semaphore_mem>>) src(%dma_wait3A_148 : memref<2600000x32xf32, #tpu.memory_space<hbm>>) dst(%dma_wait3A_142 : memref<128x32xf32, #tpu.memory_space<vmem>>)
      %dma_wait3A_149 = arith.constant 4 : i32
      %dma_wait3A_150 = arith.constant 512 : i32
      %dma_wait3A_151 = arith.constant 0 : i32
      %dma_wait3A_152 = tpu.memref_slice %arg6[%dma_wait3A_150, %dma_wait3A_151] : memref<1024x32xf32, #tpu.memory_space<vmem>> -> memref<128x32xf32, #tpu.memory_space<vmem>>
      %dma_wait3A_153 = arith.constant 0 : i32
      %dma_wait3A_154 = tpu.memref_slice %arg5[%dma_wait3A_149, %dma_wait3A_153] : memref<8x128xi32, #tpu.memory_space<vmem>> -> memref<1x128xi32, #tpu.memory_space<vmem>>
      %dma_wait3A_155 = tpu.memref_squeeze %dma_wait3A_154 : memref<1x128xi32, #tpu.memory_space<vmem>> -> memref<128xi32, #tpu.memory_space<vmem>>
      %dma_wait3A_156 = arith.constant 0 : i32
      %dma_wait3A_157 = arith.constant 0 : i32
      %dma_wait3A_158 = tpu.memref_slice %arg2[%dma_wait3A_156, %dma_wait3A_157] : memref<2600000x32xf32, #tpu.memory_space<hbm>> -> memref<2600000x32xf32, #tpu.memory_space<hbm>>
      tpu.wait_indirect_dma semaphore(%arg7 : memref<!tpu.dma_semaphore, #tpu.memory_space<semaphore_mem>>) src(%dma_wait3A_158 : memref<2600000x32xf32, #tpu.memory_space<hbm>>) dst(%dma_wait3A_152 : memref<128x32xf32, #tpu.memory_space<vmem>>)
      %dma_wait3A_159 = arith.constant 5 : i32
      %dma_wait3A_160 = arith.constant 640 : i32
      %dma_wait3A_161 = arith.constant 0 : i32
      %dma_wait3A_162 = tpu.memref_slice %arg6[%dma_wait3A_160, %dma_wait3A_161] : memref<1024x32xf32, #tpu.memory_space<vmem>> -> memref<128x32xf32, #tpu.memory_space<vmem>>
      %dma_wait3A_163 = arith.constant 0 : i32
      %dma_wait3A_164 = tpu.memref_slice %arg5[%dma_wait3A_159, %dma_wait3A_163] : memref<8x128xi32, #tpu.memory_space<vmem>> -> memref<1x128xi32, #tpu.memory_space<vmem>>
      %dma_wait3A_165 = tpu.memref_squeeze %dma_wait3A_164 : memref<1x128xi32, #tpu.memory_space<vmem>> -> memref<128xi32, #tpu.memory_space<vmem>>
      %dma_wait3A_166 = arith.constant 0 : i32
      %dma_wait3A_167 = arith.constant 0 : i32
      %dma_wait3A_168 = tpu.memref_slice %arg2[%dma_wait3A_166, %dma_wait3A_167] : memref<2600000x32xf32, #tpu.memory_space<hbm>> -> memref<2600000x32xf32, #tpu.memory_space<hbm>>
      tpu.wait_indirect_dma semaphore(%arg7 : memref<!tpu.dma_semaphore, #tpu.memory_space<semaphore_mem>>) src(%dma_wait3A_168 : memref<2600000x32xf32, #tpu.memory_space<hbm>>) dst(%dma_wait3A_162 : memref<128x32xf32, #tpu.memory_space<vmem>>)
      %dma_wait3A_169 = arith.constant 6 : i32
      %dma_wait3A_170 = arith.constant 768 : i32
      %dma_wait3A_171 = arith.constant 0 : i32
      %dma_wait3A_172 = tpu.memref_slice %arg6[%dma_wait3A_170, %dma_wait3A_171] : memref<1024x32xf32, #tpu.memory_space<vmem>> -> memref<128x32xf32, #tpu.memory_space<vmem>>
      %dma_wait3A_173 = arith.constant 0 : i32
      %dma_wait3A_174 = tpu.memref_slice %arg5[%dma_wait3A_169, %dma_wait3A_173] : memref<8x128xi32, #tpu.memory_space<vmem>> -> memref<1x128xi32, #tpu.memory_space<vmem>>
      %dma_wait3A_175 = tpu.memref_squeeze %dma_wait3A_174 : memref<1x128xi32, #tpu.memory_space<vmem>> -> memref<128xi32, #tpu.memory_space<vmem>>
      %dma_wait3A_176 = arith.constant 0 : i32
      %dma_wait3A_177 = arith.constant 0 : i32
      %dma_wait3A_178 = tpu.memref_slice %arg2[%dma_wait3A_176, %dma_wait3A_177] : memref<2600000x32xf32, #tpu.memory_space<hbm>> -> memref<2600000x32xf32, #tpu.memory_space<hbm>>
      tpu.wait_indirect_dma semaphore(%arg7 : memref<!tpu.dma_semaphore, #tpu.memory_space<semaphore_mem>>) src(%dma_wait3A_178 : memref<2600000x32xf32, #tpu.memory_space<hbm>>) dst(%dma_wait3A_172 : memref<128x32xf32, #tpu.memory_space<vmem>>)
      %dma_wait3A_179 = arith.constant 7 : i32
      %dma_wait3A_180 = arith.constant 896 : i32
      %dma_wait3A_181 = arith.constant 0 : i32
      %dma_wait3A_182 = tpu.memref_slice %arg6[%dma_wait3A_180, %dma_wait3A_181] : memref<1024x32xf32, #tpu.memory_space<vmem>> -> memref<128x32xf32, #tpu.memory_space<vmem>>
      %dma_wait3A_183 = arith.constant 0 : i32
      %dma_wait3A_184 = tpu.memref_slice %arg5[%dma_wait3A_179, %dma_wait3A_183] : memref<8x128xi32, #tpu.memory_space<vmem>> -> memref<1x128xi32, #tpu.memory_space<vmem>>
      %dma_wait3A_185 = tpu.memref_squeeze %dma_wait3A_184 : memref<1x128xi32, #tpu.memory_space<vmem>> -> memref<128xi32, #tpu.memory_space<vmem>>
      %dma_wait3A_186 = arith.constant 0 : i32
      %dma_wait3A_187 = arith.constant 0 : i32
      %dma_wait3A_188 = tpu.memref_slice %arg2[%dma_wait3A_186, %dma_wait3A_187] : memref<2600000x32xf32, #tpu.memory_space<hbm>> -> memref<2600000x32xf32, #tpu.memory_space<hbm>>
      tpu.wait_indirect_dma semaphore(%arg7 : memref<!tpu.dma_semaphore, #tpu.memory_space<semaphore_mem>>) src(%dma_wait3A_188 : memref<2600000x32xf32, #tpu.memory_space<hbm>>) dst(%dma_wait3A_182 : memref<128x32xf32, #tpu.memory_space<vmem>>)
      "tpu.region"() ({
        %run_scoped3A = tpu.sem_alloc : memref<!tpu.dma_semaphore, #tpu.memory_space<semaphore_mem>>
        %dma_start3A_190 = arith.constant 0 : i32
        %dma_start3A_191 = tpu.memref_slice %arg4[%multiple_of3A, %dma_start3A_190] : memref<425984x32xf32, #tpu.memory_space<hbm>> -> memref<1024x32xf32, #tpu.memory_space<hbm>>
        %dma_start3A_192 = arith.constant 0 : i32
        %dma_start3A_193 = tpu.memref_slice %arg4[%multiple_of3A, %dma_start3A_192] : memref<425984x32xf32, #tpu.memory_space<hbm>> -> memref<1024x32xf32, #tpu.memory_space<hbm>>
        tpu.enqueue_dma source(%arg6 : memref<1024x32xf32, #tpu.memory_space<vmem>>) target(%dma_start3A_193 : memref<1024x32xf32, #tpu.memory_space<hbm>>) target_semaphore(%run_scoped3A : memref<!tpu.dma_semaphore, #tpu.memory_space<semaphore_mem>>)
        %dma_wait3A_194 = arith.constant 0 : i32
        %dma_wait3A_195 = tpu.memref_slice %arg4[%multiple_of3A, %dma_wait3A_194] : memref<425984x32xf32, #tpu.memory_space<hbm>> -> memref<1024x32xf32, #tpu.memory_space<hbm>>
        %dma_wait3A_196 = arith.constant 0 : i32
        %dma_wait3A_197 = tpu.memref_slice %arg4[%multiple_of3A, %dma_wait3A_196] : memref<425984x32xf32, #tpu.memory_space<hbm>> -> memref<1024x32xf32, #tpu.memory_space<hbm>>
        tpu.wait_dma2 semaphore(%run_scoped3A : memref<!tpu.dma_semaphore, #tpu.memory_space<semaphore_mem>>) src(%arg6 : memref<1024x32xf32, #tpu.memory_space<vmem>>) dst(%dma_wait3A_197 : memref<1024x32xf32, #tpu.memory_space<hbm>>)
        tpu.yield
      }) : () -> ()
      %scan3A_189 = arith.constant 0 : i32
      scf.yield %scan3A_189 : i32
    }
    %scan3A_8 = arith.constant 13 : i32
    return
  }
}

module attributes {stable_mosaic.version = 14 : i64} {
  func.func @_mlp_body(%arg0: i32, %arg1: memref<1024x128xf32, #tpu.memory_space<vmem>>, %arg2: memref<1024x832xf32, #tpu.memory_space<vmem>>, %arg3: memref<832x512xf32, #tpu.memory_space<vmem>>, %arg4: memref<1x512xf32, #tpu.memory_space<vmem>>, %arg5: memref<512x256xf32, #tpu.memory_space<vmem>>, %arg6: memref<1x256xf32, #tpu.memory_space<vmem>>, %arg7: memref<256x128xf32, #tpu.memory_space<vmem>>, %arg8: memref<1x128xf32, #tpu.memory_space<vmem>>, %arg9: memref<256x1xf32, #tpu.memory_space<vmem>>, %arg10: memref<1x1xf32, #tpu.memory_space<vmem>>, %arg11: memref<1024x1xf32, #tpu.memory_space<vmem>>) attributes {dimension_semantics = [#tpu.dimension_semantics<arbitrary>], iteration_bounds = array<i64: 16>, scalar_prefetch = 0 : i64, scratch_operands = 0 : i64, tpu.core_type = #tpu.core_type<tc>, window_params = [{transform_indices = @transform_0, window_bounds = array<i64: 1024, 128>}, {transform_indices = @transform_1, window_bounds = array<i64: 1024, 832>}, {pipeline_mode = #tpu.pipeline_mode<synchronous>, transform_indices = @transform_2, window_bounds = array<i64: 832, 512>}, {pipeline_mode = #tpu.pipeline_mode<synchronous>, transform_indices = @transform_3, window_bounds = array<i64: 1, 512>}, {pipeline_mode = #tpu.pipeline_mode<synchronous>, transform_indices = @transform_4, window_bounds = array<i64: 512, 256>}, {pipeline_mode = #tpu.pipeline_mode<synchronous>, transform_indices = @transform_5, window_bounds = array<i64: 1, 256>}, {pipeline_mode = #tpu.pipeline_mode<synchronous>, transform_indices = @transform_6, window_bounds = array<i64: 256, 128>}, {pipeline_mode = #tpu.pipeline_mode<synchronous>, transform_indices = @transform_7, window_bounds = array<i64: 1, 128>}, {pipeline_mode = #tpu.pipeline_mode<synchronous>, transform_indices = @transform_8, window_bounds = array<i64: 256, 1>}, {pipeline_mode = #tpu.pipeline_mode<synchronous>, transform_indices = @transform_9, window_bounds = array<i64: 1, 1>}, {transform_indices = @transform_10, window_bounds = array<i64: 1024, 1>}]} {
    %get3A = arith.constant 0 : index
    %get3A_0 = arith.constant 0 : index
    %get3A_1 = vector.load %arg2[%get3A, %get3A_0] : memref<1024x832xf32, #tpu.memory_space<vmem>>, vector<1024x832xf32>
    %convert_element_type3A = arith.truncf %get3A_1 : vector<1024x832xf32> to vector<1024x832xbf16>
    %get3A_2 = arith.constant 0 : index
    %get3A_3 = arith.constant 0 : index
    %get3A_4 = vector.load %arg3[%get3A_2, %get3A_3] : memref<832x512xf32, #tpu.memory_space<vmem>>, vector<832x512xf32>
    %convert_element_type3A_5 = arith.truncf %get3A_4 : vector<832x512xf32> to vector<832x512xbf16>
    %dot_general3A = arith.constant dense<0.000000e+00> : vector<1024x512xf32>
    %dot_general3A_6 = tpu.matmul %convert_element_type3A, %convert_element_type3A_5, %dot_general3A {dimension_numbers = #tpu.dot_dimension_numbers<[1], [0], [0], [1], [0, 0, 1, 1], [], []>, transpose_lhs_hint = false} : vector<1024x832xbf16>, vector<832x512xbf16>, vector<1024x512xf32> -> vector<1024x512xf32>
    %get3A_7 = arith.constant 0 : index
    %get3A_8 = arith.constant 0 : index
    %get3A_9 = vector.load %arg4[%get3A_7, %get3A_8] : memref<1x512xf32, #tpu.memory_space<vmem>>, vector<1x512xf32>
    %add3A = vector.broadcast %get3A_9 : vector<1x512xf32> to vector<1024x512xf32>
    %add3A_10 = arith.addf %dot_general3A_6, %add3A : vector<1024x512xf32>
    %max3A = arith.constant 0.000000e+00 : f32
    %max3A_11 = vector.broadcast %max3A : f32 to vector<1024x512xf32>
    %max3A_12 = arith.maximumf %add3A_10, %max3A_11 : vector<1024x512xf32>
    %convert_element_type3A_13 = arith.truncf %max3A_12 : vector<1024x512xf32> to vector<1024x512xbf16>
    %get3A_14 = arith.constant 0 : index
    %get3A_15 = arith.constant 0 : index
    %get3A_16 = vector.load %arg5[%get3A_14, %get3A_15] : memref<512x256xf32, #tpu.memory_space<vmem>>, vector<512x256xf32>
    %convert_element_type3A_17 = arith.truncf %get3A_16 : vector<512x256xf32> to vector<512x256xbf16>
    %dot_general3A_18 = arith.constant dense<0.000000e+00> : vector<1024x256xf32>
    %dot_general3A_19 = tpu.matmul %convert_element_type3A_13, %convert_element_type3A_17, %dot_general3A_18 {dimension_numbers = #tpu.dot_dimension_numbers<[1], [0], [0], [1], [0, 0, 1, 1], [], []>, transpose_lhs_hint = false} : vector<1024x512xbf16>, vector<512x256xbf16>, vector<1024x256xf32> -> vector<1024x256xf32>
    %get3A_20 = arith.constant 0 : index
    %get3A_21 = arith.constant 0 : index
    %get3A_22 = vector.load %arg6[%get3A_20, %get3A_21] : memref<1x256xf32, #tpu.memory_space<vmem>>, vector<1x256xf32>
    %add3A_23 = vector.broadcast %get3A_22 : vector<1x256xf32> to vector<1024x256xf32>
    %add3A_24 = arith.addf %dot_general3A_19, %add3A_23 : vector<1024x256xf32>
    %max3A_25 = arith.constant 0.000000e+00 : f32
    %max3A_26 = vector.broadcast %max3A_25 : f32 to vector<1024x256xf32>
    %max3A_27 = arith.maximumf %add3A_24, %max3A_26 : vector<1024x256xf32>
    %convert_element_type3A_28 = arith.truncf %max3A_27 : vector<1024x256xf32> to vector<1024x256xbf16>
    %get3A_29 = arith.constant 0 : index
    %get3A_30 = arith.constant 0 : index
    %get3A_31 = vector.load %arg7[%get3A_29, %get3A_30] : memref<256x128xf32, #tpu.memory_space<vmem>>, vector<256x128xf32>
    %convert_element_type3A_32 = arith.truncf %get3A_31 : vector<256x128xf32> to vector<256x128xbf16>
    %dot_general3A_33 = arith.constant dense<0.000000e+00> : vector<1024x128xf32>
    %dot_general3A_34 = tpu.matmul %convert_element_type3A_28, %convert_element_type3A_32, %dot_general3A_33 {dimension_numbers = #tpu.dot_dimension_numbers<[1], [0], [0], [1], [0, 0, 1, 1], [], []>, transpose_lhs_hint = false} : vector<1024x256xbf16>, vector<256x128xbf16>, vector<1024x128xf32> -> vector<1024x128xf32>
    %get3A_35 = arith.constant 0 : index
    %get3A_36 = arith.constant 0 : index
    %get3A_37 = vector.load %arg8[%get3A_35, %get3A_36] : memref<1x128xf32, #tpu.memory_space<vmem>>, vector<1x128xf32>
    %add3A_38 = vector.broadcast %get3A_37 : vector<1x128xf32> to vector<1024x128xf32>
    %add3A_39 = arith.addf %dot_general3A_34, %add3A_38 : vector<1024x128xf32>
    %max3A_40 = arith.constant 0.000000e+00 : f32
    %max3A_41 = vector.broadcast %max3A_40 : f32 to vector<1024x128xf32>
    %max3A_42 = arith.maximumf %add3A_39, %max3A_41 : vector<1024x128xf32>
    %get3A_43 = arith.constant 0 : index
    %get3A_44 = arith.constant 0 : index
    %get3A_45 = vector.load %arg9[%get3A_43, %get3A_44] : memref<256x1xf32, #tpu.memory_space<vmem>>, vector<256x1xf32>
    %get3A_46 = arith.constant 0 : index
    %get3A_47 = arith.constant 0 : index
    %get3A_48 = vector.load %arg1[%get3A_46, %get3A_47] : memref<1024x128xf32, #tpu.memory_space<vmem>>, vector<1024x128xf32>
    %slice3A = vector.extract_strided_slice %get3A_45 {offsets = [0, 0], sizes = [128, 1], strides = [1, 1]} : vector<256x1xf32> to vector<128x1xf32>
    %dot_general3A_49 = arith.constant dense<0.000000e+00> : vector<1024x1xf32>
    %dot_general3A_50 = tpu.matmul %get3A_48, %slice3A, %dot_general3A_49 {dimension_numbers = #tpu.dot_dimension_numbers<[1], [0], [0], [1], [0, 0, 1, 1], [], []>, transpose_lhs_hint = false} : vector<1024x128xf32>, vector<128x1xf32>, vector<1024x1xf32> -> vector<1024x1xf32>
    %slice3A_51 = vector.extract_strided_slice %get3A_45 {offsets = [128, 0], sizes = [128, 1], strides = [1, 1]} : vector<256x1xf32> to vector<128x1xf32>
    %dot_general3A_52 = arith.constant dense<0.000000e+00> : vector<1024x1xf32>
    %dot_general3A_53 = tpu.matmul %max3A_42, %slice3A_51, %dot_general3A_52 {dimension_numbers = #tpu.dot_dimension_numbers<[1], [0], [0], [1], [0, 0, 1, 1], [], []>, transpose_lhs_hint = false} : vector<1024x128xf32>, vector<128x1xf32>, vector<1024x1xf32> -> vector<1024x1xf32>
    %add3A_54 = arith.addf %dot_general3A_50, %dot_general3A_53 : vector<1024x1xf32>
    %get3A_55 = arith.constant 0 : index
    %get3A_56 = arith.constant 0 : index
    %get3A_57 = vector.load %arg10[%get3A_55, %get3A_56] : memref<1x1xf32, #tpu.memory_space<vmem>>, vector<1x1xf32>
    %add3A_58 = vector.broadcast %get3A_57 : vector<1x1xf32> to vector<1024x1xf32>
    %add3A_59 = arith.addf %add3A_54, %add3A_58 : vector<1024x1xf32>
    %logistic3A = arith.negf %add3A_59 : vector<1024x1xf32>
    %logistic3A_60 = math.exp %logistic3A : vector<1024x1xf32>
    %logistic3A_61 = arith.constant 1.000000e+00 : f32
    %logistic3A_62 = vector.broadcast %logistic3A_61 : f32 to vector<1024x1xf32>
    %logistic3A_63 = arith.addf %logistic3A_62, %logistic3A_60 : vector<1024x1xf32>
    %logistic3A_64 = arith.divf %logistic3A_62, %logistic3A_63 : vector<1024x1xf32>
    %swap3A = arith.constant 0 : index
    %swap3A_65 = arith.constant 0 : index
    %swap3A_66 = vector.load %arg11[%swap3A, %swap3A_65] : memref<1024x1xf32, #tpu.memory_space<vmem>>, vector<1024x1xf32>
    tpu.vector_store %arg11[%swap3A, %swap3A_65], %logistic3A_64 {strides = array<i32>} : memref<1024x1xf32, #tpu.memory_space<vmem>>, vector<1024x1xf32>,
    return
  }
  func.func @transform_0(%arg0: i32) -> (i32, i32) {
    %c0_i32 = arith.constant 0 : i32
    %c0_i32_0 = arith.constant 0 : i32
    return %arg0, %c0_i32 : i32, i32
  }
  func.func @transform_1(%arg0: i32) -> (i32, i32) {
    %c0_i32 = arith.constant 0 : i32
    %c0_i32_0 = arith.constant 0 : i32
    return %arg0, %c0_i32 : i32, i32
  }
  func.func @transform_2(%arg0: i32) -> (i32, i32) {
    %c0_i32 = arith.constant 0 : i32
    %c0_i32_0 = arith.constant 0 : i32
    %c0_i32_1 = arith.constant 0 : i32
    return %c0_i32, %c0_i32_0 : i32, i32
  }
  func.func @transform_3(%arg0: i32) -> (i32, i32) {
    %c0_i32 = arith.constant 0 : i32
    %c0_i32_0 = arith.constant 0 : i32
    %c0_i32_1 = arith.constant 0 : i32
    return %c0_i32, %c0_i32_0 : i32, i32
  }
  func.func @transform_4(%arg0: i32) -> (i32, i32) {
    %c0_i32 = arith.constant 0 : i32
    %c0_i32_0 = arith.constant 0 : i32
    %c0_i32_1 = arith.constant 0 : i32
    return %c0_i32, %c0_i32_0 : i32, i32
  }
  func.func @transform_5(%arg0: i32) -> (i32, i32) {
    %c0_i32 = arith.constant 0 : i32
    %c0_i32_0 = arith.constant 0 : i32
    %c0_i32_1 = arith.constant 0 : i32
    return %c0_i32, %c0_i32_0 : i32, i32
  }
  func.func @transform_6(%arg0: i32) -> (i32, i32) {
    %c0_i32 = arith.constant 0 : i32
    %c0_i32_0 = arith.constant 0 : i32
    %c0_i32_1 = arith.constant 0 : i32
    return %c0_i32, %c0_i32_0 : i32, i32
  }
  func.func @transform_7(%arg0: i32) -> (i32, i32) {
    %c0_i32 = arith.constant 0 : i32
    %c0_i32_0 = arith.constant 0 : i32
    %c0_i32_1 = arith.constant 0 : i32
    return %c0_i32, %c0_i32_0 : i32, i32
  }
  func.func @transform_8(%arg0: i32) -> (i32, i32) {
    %c0_i32 = arith.constant 0 : i32
    %c0_i32_0 = arith.constant 0 : i32
    %c0_i32_1 = arith.constant 0 : i32
    return %c0_i32, %c0_i32_0 : i32, i32
  }
  func.func @transform_9(%arg0: i32) -> (i32, i32) {
    %c0_i32 = arith.constant 0 : i32
    %c0_i32_0 = arith.constant 0 : i32
    %c0_i32_1 = arith.constant 0 : i32
    return %c0_i32, %c0_i32_0 : i32, i32
  }
  func.func @transform_10(%arg0: i32) -> (i32, i32) {
    %c0_i32 = arith.constant 0 : i32
    %c0_i32_0 = arith.constant 0 : i32
    return %arg0, %c0_i32 : i32, i32
  }
}

</mosaic_0001>

<sc_bundles>
// kernel: kernel.4.cloned.1.call-start
scs
__scs_entry_jumppad:
0x0: {  	(pc) =	sbr.rel $0x88, $3  }
0x1: {  	(tag) =	ssettag $0x0;
	lr =	simm.s32 $0x1  }
0x2: {  	[smem:$0x3F96] =	sst lr;
	_ =	strace $0xD0000000  }
0x3: {  	_ = 	snop  }
0x4: {  	_ = 	snop  }
0x5: {  	_ = 	snop  }
0x6: {  	_ = 	snop  }
0x7: {  	_ = 	snop  }
__scs_overlays_trampoline_lowered:
0x8: {  	[smem:$0x3FA5] =	sst s0  }
0x9: {  	[smem:$0x3FA6] =	sst s1  }
0xa: {  	[smem:$0x3FA7] =	sst s2  }
0xb: {  	[smem:$0x3FA8] =	sst s3  }
0xc: {  	[smem:$0x3FA9] =	sst s4  }
0xd: {  	[smem:$0x3FAA] =	sst s5  }
0xe: {  	[smem:$0x3FAB] =	sst s6  }
0xf: {  	[smem:$0x3FAC] =	sst s7  }
0x10: {  	[smem:$0x3FAD] =	sst s8  }
0x11: {  	[smem:$0x3FAE] =	sst s9;
	s0 =	simm.s32 @!p0 $0x0  }
0x12: {  	s1 =	sld [smem:$0x3F94];
	s0 =	simm.s32 @p0 $0x1  }
0x13: {  	[smem:$0x3FAF] =	sst s0;
	s0 =	simm.s32 @!p1 $0x0  }
0x14: {  	s2 =	sld [smem:$0x3F93];
	s0 =	simm.s32 @p1 $0x1  }
0x15: {  	[smem:$0x3FB0] =	sst s0;
	s0 =	simm.s32 @!p2 $0x0  }
0x16: {  	s3 =	sld [smem:$0x3FDB];
	s0 =	simm.s32 @p2 $0x1  }
0x17: {  	s4 =	simm.s32 $0x1BF5;
	[smem:$0x3FB2] =	sst s0  }
0x18: {  	s0 =	sld [smem:$0x3F95];
	_ =	swait.ge [sflag:s4], $0x0  }
0x19: {  	s7 =	sld [smem:$0x3F96]  }
0x1a: {  	s8 =	sadd.s32 $0xFFFFE003, lr  }
0x1b: {  	s9 =	sadd.s32 $0xFFFFFEF7, lr;
	s5 =	simm.s32 $0xFFFFFFFF;
	p2 =	slt.u32 s8, $0xFFFFF086  }
0x1c: {  	p1 =	slt.u32 s9, $0xF7A;
	s5 =	simm.s32 @!p2 $0x0  }
0x1d: {  	s5 =	simm.s32 @p1 $0x1;
	p0 =	seq.s32 s7, s2  }
0x1e: {  	s7 =	smul.u32 @!p0 $0xF7A, s2;
	p2 =	seq.s32 @!p0 s5, $0x0  }
0x1f: {  	s9 =	smul.u32 $0xF7A, s1;
	s8 =	simm.s32 @!p0 $0x1BF5;
	p2 =	por !p2, p0  }
0x20: {  	[sflag:s8] =	ssyncset.s32 @!p0 $0xFFFFF086;
	s6 =	sadd.s32 @!p0 s3, s7;
	s7 =	simm.s32 @!p0 $0x108  }
0x21: {  	s3 =	sadd.s32 s3, s9;
	s6 =	sadd.s32 @!p0 $0x88, s6;
	s7 =	simm.s32 @p2 $0x1082  }
0x22: {  	[simem:s7], [sflag:s8] =	dma.local @!p0 [hbm:s6], $0xF7A  }
0x23: {  	s9 =	sor.u32 $0xD0000000, s2;
	s6 =	simm.s32 $0x108;
	_ =	swait.ge @!p0 [sflag:s8], $0x0  }
0x24: {  	s3 =	sadd.s32 $0x88, s3;
	s6 =	simm.s32 @!p1 $0x1082;
	[sflag:s4] =	ssyncset.s32 $0xFFFFF086  }
0x25: {  	[simem:s6], [sflag:s4] =	dma.local [hbm:s3], $0xF7A  }
0x26: {  	[smem:$0x3F96] =	sst s1;
	(tag) =	ssettag s2;
	_ =	strace s9  }
0x27: {  	s1 =	sld [smem:$0x3FA6]  }
0x28: {  	s2 =	sld [smem:$0x3FA7]  }
0x29: {  	s4 =	sld [smem:$0x3FA9]  }
0x2a: {  	p0 =	seq.s32 s5, $0x0;
	s5 =	sld [smem:$0x3FAA]  }
0x2b: {  	s6 =	sld [smem:$0x3FAB]  }
0x2c: {  	s7 =	sld [smem:$0x3FAC]  }
0x2d: {  	s3 =	simm.s32 $0x108;
	s8 =	sld [smem:$0x3FAD]  }
0x2e: {  	s3 =	simm.s32 @!p0 $0x1082;
	s9 =	sld [smem:$0x3FAE]  }
0x2f: {  	lr =	sadd.s32 s0, s3;
	s0 =	sld [smem:$0x3FA5]  }
0x30: {  	s3 =	sld [smem:$0x3FA8]  }
0x31: {  	[smem:$0x3FB1] =	sst s10  }
0x32: {  	s10 =	sld [smem:$0x3FAF];
	_ =	sdelay $0x3  }
0x33: {  	p0 =	seq.s32 s10, $0x1;
	s10 =	sld [smem:$0x3FB1];
	_ =	sdelay $0x3  }
0x34: {  	[smem:$0x3FB1] =	sst s10  }
0x35: {  	s10 =	sld [smem:$0x3FB0];
	_ =	sdelay $0x3  }
0x36: {  	p1 =	seq.s32 s10, $0x1;
	s10 =	sld [smem:$0x3FB1];
	_ =	sdelay $0x3  }
0x37: {  	[smem:$0x3FB1] =	sst s10  }
0x38: {  	s10 =	sld [smem:$0x3FB2]  }
0x39: {  	_ = 	snop;
	(pc) =	sbr.ind lr, $3  }
0x3a: {  	_ = 	snop  }
0x3b: {  	_ = 	snop  }
0x3c: {  	p2 =	seq.s32 s10, $0x1;
	s10 =	sld [smem:$0x3FB1]  }
0x3d: {  	_ =	shalt  }
0x3e: {  	_ =	shalt  }
0x3f: {  	_ =	shalt  }
0x40: {  	_ =	shalt  }
0x41: {  	_ =	shalt  }
0x42: {  	_ =	shalt  }
0x43: {  	_ =	shalt  }
0x44: {  	_ =	shalt  }
0x45: {  	_ =	shalt  }
0x46: {  	_ =	shalt  }
0x47: {  	_ =	shalt  }
0x48: {  	_ =	shalt  }
0x49: {  	_ =	shalt  }
0x4a: {  	_ =	shalt  }
0x4b: {  	_ =	shalt  }
0x4c: {  	_ =	shalt  }
0x4d: {  	_ =	shalt  }
0x4e: {  	_ =	shalt  }
0x4f: {  	_ =	shalt  }
0x50: {  	_ =	shalt  }
0x51: {  	_ =	shalt  }
0x52: {  	_ =	shalt  }
0x53: {  	_ =	shalt  }
0x54: {  	_ =	shalt  }
0x55: {  	_ =	shalt  }
0x56: {  	_ =	shalt  }
0x57: {  	_ =	shalt  }
0x58: {  	_ =	shalt  }
0x59: {  	_ =	shalt  }
0x5a: {  	_ =	shalt  }
0x5b: {  	_ =	shalt  }
0x5c: {  	_ =	shalt  }
0x5d: {  	_ =	shalt  }
0x5e: {  	_ =	shalt  }
0x5f: {  	_ =	shalt  }
0x60: {  	_ =	shalt  }
0x61: {  	_ =	shalt  }
0x62: {  	_ =	shalt  }
0x63: {  	_ =	shalt  }
0x64: {  	_ =	shalt  }
0x65: {  	_ =	shalt  }
0x66: {  	_ =	shalt  }
0x67: {  	_ =	shalt  }
0x68: {  	_ =	shalt  }
0x69: {  	_ =	shalt  }
0x6a: {  	_ =	shalt  }
0x6b: {  	_ =	shalt  }
0x6c: {  	_ =	shalt  }
0x6d: {  	_ =	shalt  }
0x6e: {  	_ =	shalt  }
0x6f: {  	_ =	shalt  }
0x70: {  	_ =	shalt  }
0x71: {  	_ =	shalt  }
0x72: {  	_ =	shalt  }
0x73: {  	_ =	shalt  }
0x74: {  	_ =	shalt  }
0x75: {  	_ =	shalt  }
0x76: {  	_ =	shalt  }
0x77: {  	_ =	shalt  }
0x78: {  	_ =	shalt  }
0x79: {  	_ =	shalt  }
0x7a: {  	_ =	shalt  }
0x7b: {  	_ =	shalt  }
0x7c: {  	_ =	shalt  }
0x7d: {  	_ =	shalt  }
0x7e: {  	_ =	shalt  }
0x7f: {  	_ =	shalt  }
0x80: {  	_ =	shalt  }
0x81: {  	_ =	shalt  }
0x82: {  	_ =	shalt  }
0x83: {  	_ =	shalt  }
0x84: {  	_ =	shalt  }
0x85: {  	_ =	shalt  }
0x86: {  	_ =	shalt  }
0x87: {  	_ =	shalt  }
.Lfunc_end0:
.L_simem_size_0:
called_computation_lowered:
.L_overlay_start_0:
0x88: {  	s2 =	sld [smem:$0x3FD9]  }
0x89: {  	s3 =	sld [smem:$0x3FFE];
	_ =	sdelay $0x1  }
0x8a: {  	s1 =	srdreg.scid  }
0x8b: {  	s0 =	sand.u32 $0x1, s1  }
0x8c: {  	s16 =	sshll.u32 s0, $0xA;
	s2 =	sadd.s32 s3, s2  }
0x8d: {  	s2 =	sadd.s32 s2, s16  }
0x8e: {  	[smem:$0x3FBD] =	sst s2  }
0x8f: {  	_ = 	snop  }
0x90: {  	(tm) =	ssettm $0x1  }
0x91: {  	s17 =	sld [smem:$0x3FFB];
	_ =	sdelay $0x3  }
0x92: {  	_ =	strace s17  }
0x93: {  	s2 =	sld [smem:$0x3FFC];
	_ =	sdelay $0x3  }
0x94: {  	_ =	strace s2  }
0x95: {  	s2 =	sld [smem:$0x3FFD];
	_ =	sdelay $0x3  }
0x96: {  	_ =	strace s2  }
0x97: {  	_ =	strace $0x8FFFFFFF  }
0x98: {  	s18 =	sld [smem:$0x3FDB];
	_ =	sdelay $0x1  }
0x99: {  	s19 =	simm.s32 $_scs_section_size  }
0x9a: {  	s4 =	simm.s32 $_size__tile_overlayer_lowered;
	s5 =	simm.s32 $_tile_overlayer_lowered  }
0x9b: {  	s22 =	simm.s32 $0x1BFF;
	s21 =	sshll.u32 s5, $0x1;
	s2 =	sadd.s32 s19, s18  }
0x9c: {  	s6 =	simm.s32 $0x0;
	s20 =	sshll.u32 s4, $0x1;
	s4 =	sadd.s32 s21, s2  }
0x9d: {  	[timem:s6], [sflag:s22] =	dma.local [hbm:s4], s20  }
0x9e: {  	_ =	swait.ge [sflag:s22], s20  }
0x9f: {  	s3 =	ssub.s32 $0x0, s20;
	[sflag:s22] =	ssyncset.done $0x0  }
0xa0: {  	[sflag:s22] =	ssyncadd.s32 s3;
	_ =	sdelay $0x1  }
0xa1: {  	s23 =	simm.s32 $0x1B8B  }
0xa2: {  	_ =	swait.ge [sflag:s23], $0x1  }
0xa3: {  	[sflag:s23] =	ssyncset.done $0x0  }
0xa4: {  	s25 =	simm.s32 $0x1B8E;
	s24 =	sld [smem:$0x3FFE];
	[sflag:s23] =	ssyncadd.s32 $0xFFFFFFFF  }
0xa5: {  	s26 =	simm.s32 $execute0_lowered;
	[smem:$0x3FD2] =	sst s25  }
0xa6: {  	s4 =	sshll.u32 s26, $0x1;
	_ =	strace $0x80000046;
	[dreg:$0x1] =	wrdreg $0xFFFFFFFF  }
0xa7: {  	s28 =	simm.s32 $_size_execute0_lowered;
	s2 =	sadd.s32 s2, s4;
	[dreg:$0x0] =	wrdreg $0x0  }
0xa8: {  	s4 =	sshll.u32 s28, $0x1;
	[dreg:$0x2] =	wrdreg s2  }
0xa9: {  	[dreg:$0x3] =	wrdreg s4  }
0xaa: {  	[dreg:$0x4] =	wrdreg $0xC0  }
0xab: {  	_ =	task [dreg:s6], $0x5FFFF  }
0xac: {  	[dreg:$0x1] =	wrdreg $0xFFFFFFFF  }
0xad: {  	[dreg:$0x0] =	wrdreg $0x60  }
0xae: {  	[dreg:$0x2] =	wrdreg s24  }
0xaf: {  	[dreg:$0x3] =	wrdreg $0x9  }
0xb0: {  	_ =	task.clear_ibuf [dreg:s6], $0x4FFFF;
	_ =	strace $0x90000046  }
0xb1: {  	s29 =	simm.s32 $0x9;
	_ =	strace $0x80000048  }
0xb2: {  	_ =	swait.ge [sflag:s29], $0x1  }
0xb3: {  	[sflag:s29] =	ssyncadd.s32 $0xFFFFFFFF  }
0xb4: {  	_ =	strace $0x90000048  }
0xb5: {  	_ =	sfence  }
0xb6: {  	s30 =	sld [smem:$0x0];
	_ =	sdelay $0x2  }
0xb7: {  	s31 =	sshll.u32 s1, $0xD;
	s1 =	sshrl.u32 s1, $0x2  }
0xb8: {  	s3 =	sand.u32 $0x4000, s31;
	s1 =	sadd.s32 s1, s30  }
0xb9: {  	s0 =	sor.u32 s3, s0;
	s1 =	sshll.u32 s1, $0x11  }
0xba: {  	s0 =	sor.u32 s1, s0  }
0xbb: {  	s0 =	sadd.s32 $0x8F2B, s0  }
0xbc: {  	[sflag:s0] =	ssyncadd.remote.s32 $0x1  }
0xbd: {  	_ =	sfence.sel $0xFFFF  }
0xbe: {  	[dreg:$0x0] =	wrdreg $0xFFFFFFFF;
	(pc) =	sbr.abs _section_cstart, $3  }
0xbf: {  	[dreg:$0x1] =	wrdreg $0xFFFFFFFF  }
0xc0: {  	_ =	task.clear_ibuf [dreg:s6], $0x2FFFF;
	_ =	strace $0x9FFFFFFF  }
0xc1: {  	(tm) =	ssettm $0x7FFFFFFF  }
tec
execute0_lowered:
.L_overlay_start_1:
0x0: {  	(tag) =	ssettag $0x1  }
0x1: {  	s4 =	rddreg [dreg:$0x0]  }
0x2: {  	s0 =	rddreg [dreg:$0x1];
	s2 =	simm.s32 $0x0  }
0x3: {  	s3 =	srdreg.scid;
	s1 =	stileid.u32;
	s10 =	simm.s32 $0x1400  }
0x4: {  	s11 =	simm.s32 $0x100;
	s12 =	simm.s32 $0x2400;
	s13 =	simm.s32 $0x180  }
0x5: {  	s14 =	simm.s32 $0x3400;
	s15 =	simm.s32 $0x200;
	s16 =	simm.s32 $0x4400  }
0x6: {  	s17 =	simm.s32 $0x280;
	s18 =	simm.s32 $0x5400;
	s19 =	simm.s32 $0x300  }
0x7: {  	s20 =	simm.s32 $0x6400;
	s21 =	simm.s32 $0x380;
	s22 =	simm.s32 $0x7400  }
0x8: {  	s23 =	simm.s32 $0x1;
	s24 =	simm.s32 $0x0;
	s6 =	smul.u32 $0x6800, s1  }
0x9: {  	[smem:$0x7FF] =	sst s2;
	s5 =	sand.u32 $0x1, s3;
	s8 =	smul.u32 $0x1A000, s1  }
0xa: {  	s3 =	sadd.s32 $0x27ADC00, s4;
	s7 =	smul.u32 $0x3400, s5;
	s30 =	ssub.s32 $0x2, s5  }
0xb: {  	_ =	strace $0x80000047;
	s5 =	smul.u32 $0xD000, s5;
	s9 =	sshrl.u32 s30, $0x1  }
0xc: {  	s8 =	sadd.s32 s8, s4;
	s6 =	sadd.s32 s7, s6;
	s31 =	ssub.s32 s30, s9  }
0xd: {  	s5 =	sadd.s32 s5, s8;
	s7 =	simm.s32 $0x2;
	s6 =	sshrl.u32 s6, $0x3  }
0xe: {  	s8 =	simm.s32 $0x80;
	s9 =	simm.s32 $0x400;
	s6 =	sadd.s32 s6, s4  }
0xf: {  	s5 =	sadd.s32 $0xE800, s5;
	s4 =	smax.u32 s31, $0x1;
	s6 =	sadd.s32 $0x1800, s6  }
.LBB2_1:
0x10: {  	s25 =	sadd.s32 $0x0, s6  }
0x11: {  	[tilespmem:s2], [sflag:$0x2] =	stream.linear.gather [hbm4b:s25+s2], $0x400, $0x38;
	[tilespmem:$0x8400] =	vst v63  }
0x12: {  	_ =	swait.ge [sflag:s7], $0x400  }
0x13: {  	[sflag:s7] =	ssyncset.done $0x0  }
0x14: {  	[sflag:s7] =	ssyncadd.s32 $0xFFFFFC00  }
0x15: {  	[tilespmem:s9], [sflag:$0x1] =	stream.indirect.gather [hbm4b:s3+s8], $0x20, s2, s8, $0xb8;
	[tilespmem:$0x8400] =	vst v63  }
0x16: {  	_ = 	snop  }
0x17: {  	[tilespmem:s10], [sflag:$0x1] =	stream.indirect.gather [hbm4b:s3+s8], $0x20, s8, s8, $0xb8;
	[tilespmem:$0x8400] =	vst v63  }
0x18: {  	_ = 	snop  }
0x19: {  	[tilespmem:s12], [sflag:$0x1] =	stream.indirect.gather [hbm4b:s3+s8], $0x20, s11, s8, $0xb8;
	[tilespmem:$0x8400] =	vst v63  }
0x1a: {  	_ = 	snop  }
0x1b: {  	[tilespmem:s14], [sflag:$0x1] =	stream.indirect.gather [hbm4b:s3+s8], $0x20, s13, s8, $0xb8;
	[tilespmem:$0x8400] =	vst v63  }
0x1c: {  	_ = 	snop  }
0x1d: {  	[tilespmem:s16], [sflag:$0x1] =	stream.indirect.gather [hbm4b:s3+s8], $0x20, s15, s8, $0xb8;
	[tilespmem:$0x8400] =	vst v63  }
0x1e: {  	_ = 	snop  }
0x1f: {  	[tilespmem:s18], [sflag:$0x1] =	stream.indirect.gather [hbm4b:s3+s8], $0x20, s17, s8, $0xb8;
	[tilespmem:$0x8400] =	vst v63  }
0x20: {  	_ = 	snop  }
0x21: {  	[tilespmem:s20], [sflag:$0x1] =	stream.indirect.gather [hbm4b:s3+s8], $0x20, s19, s8, $0xb8;
	[tilespmem:$0x8400] =	vst v63  }
0x22: {  	_ = 	snop  }
0x23: {  	[tilespmem:s22], [sflag:$0x1] =	stream.indirect.gather [hbm4b:s3+s8], $0x20, s21, s8, $0xb8;
	[tilespmem:$0x8400] =	vst v63  }
0x24: {  	_ =	swait.ge [sflag:s23], $0x1000  }
0x25: {  	[sflag:s23] =	ssyncset.done $0x0  }
0x26: {  	[sflag:s23] =	ssyncadd.s32 $0xFFFFF000  }
0x27: {  	_ =	swait.ge [sflag:s23], $0x1000  }
0x28: {  	[sflag:s23] =	ssyncset.done $0x0  }
0x29: {  	[sflag:s23] =	ssyncadd.s32 $0xFFFFF000  }
0x2a: {  	_ =	swait.ge [sflag:s23], $0x1000  }
0x2b: {  	[sflag:s23] =	ssyncset.done $0x0  }
0x2c: {  	[sflag:s23] =	ssyncadd.s32 $0xFFFFF000  }
0x2d: {  	_ =	swait.ge [sflag:s23], $0x1000  }
0x2e: {  	[sflag:s23] =	ssyncset.done $0x0  }
0x2f: {  	[sflag:s23] =	ssyncadd.s32 $0xFFFFF000  }
0x30: {  	_ =	swait.ge [sflag:s23], $0x1000  }
0x31: {  	[sflag:s23] =	ssyncset.done $0x0  }
0x32: {  	[sflag:s23] =	ssyncadd.s32 $0xFFFFF000  }
0x33: {  	_ =	swait.ge [sflag:s23], $0x1000  }
0x34: {  	[sflag:s23] =	ssyncset.done $0x0  }
0x35: {  	[sflag:s23] =	ssyncadd.s32 $0xFFFFF000  }
0x36: {  	_ =	swait.ge [sflag:s23], $0x1000  }
0x37: {  	[sflag:s23] =	ssyncset.done $0x0  }
0x38: {  	[sflag:s23] =	ssyncadd.s32 $0xFFFFF000  }
0x39: {  	_ =	swait.ge [sflag:s23], $0x1000  }
0x3a: {  	[sflag:s23] =	ssyncset.done $0x0  }
0x3b: {  	[sflag:s23] =	ssyncadd.s32 $0xFFFFF000  }
0x3c: {  	[hbm4b:s5+s2] =	stream.linear.scatter [tilespmem:s9], [sflag:$0x2], $0x8000, $0x38;
	[tilespmem:$0x8400] =	vst v63  }
0x3d: {  	s26 =	simm.s32 $0x80;
	_ =	swait.ge [sflag:s7], $0x8000  }
0x3e: {  	s29 =	simm.s32 $0x100;
	s25 =	sadd.s32 $0x1000, s5;
	[sflag:s7] =	ssyncset.done $0x0  }
.LBB2_2:
0x3f: {  	s30 =	sadd.s32 s26, s6  }
0x40: {  	[sflag:s7] =	ssyncadd.s32 $0xFFFF8000;
	s26 =	smov.u32 s29;
	s28 =	sadd.s32 $0x80, s29  }
0x41: {  	[tilespmem:s2], [sflag:$0x2] =	stream.linear.gather [hbm4b:s30+s2], $0x400, $0x38;
	[tilespmem:$0x8400] =	vst v63  }
0x42: {  	p0 =	sne.s32 s29, $0x600;
	_ =	swait.ge [sflag:s7], $0x400  }
0x43: {  	[sflag:s7] =	ssyncset.done $0x0  }
0x44: {  	[sflag:s7] =	ssyncadd.s32 $0xFFFFFC00  }
0x45: {  	[tilespmem:s9], [sflag:$0x1] =	stream.indirect.gather [hbm4b:s3+s8], $0x20, s2, s8, $0xb8;
	[tilespmem:$0x8400] =	vst v63  }
0x46: {  	_ = 	snop  }
0x47: {  	[tilespmem:s10], [sflag:$0x1] =	stream.indirect.gather [hbm4b:s3+s8], $0x20, s8, s8, $0xb8;
	[tilespmem:$0x8400] =	vst v63  }
0x48: {  	_ = 	snop  }
0x49: {  	[tilespmem:s12], [sflag:$0x1] =	stream.indirect.gather [hbm4b:s3+s8], $0x20, s11, s8, $0xb8;
	[tilespmem:$0x8400] =	vst v63  }
0x4a: {  	_ = 	snop  }
0x4b: {  	[tilespmem:s14], [sflag:$0x1] =	stream.indirect.gather [hbm4b:s3+s8], $0x20, s13, s8, $0xb8;
	[tilespmem:$0x8400] =	vst v63  }
0x4c: {  	_ = 	snop  }
0x4d: {  	[tilespmem:s16], [sflag:$0x1] =	stream.indirect.gather [hbm4b:s3+s8], $0x20, s15, s8, $0xb8;
	[tilespmem:$0x8400] =	vst v63  }
0x4e: {  	_ = 	snop  }
0x4f: {  	[tilespmem:s18], [sflag:$0x1] =	stream.indirect.gather [hbm4b:s3+s8], $0x20, s17, s8, $0xb8;
	[tilespmem:$0x8400] =	vst v63  }
0x50: {  	_ = 	snop  }
0x51: {  	[tilespmem:s20], [sflag:$0x1] =	stream.indirect.gather [hbm4b:s3+s8], $0x20, s19, s8, $0xb8;
	[tilespmem:$0x8400] =	vst v63  }
0x52: {  	_ = 	snop  }
0x53: {  	[tilespmem:s22], [sflag:$0x1] =	stream.indirect.gather [hbm4b:s3+s8], $0x20, s21, s8, $0xb8;
	[tilespmem:$0x8400] =	vst v63  }
0x54: {  	_ =	swait.ge [sflag:s23], $0x1000  }
0x55: {  	[sflag:s23] =	ssyncset.done $0x0  }
0x56: {  	[sflag:s23] =	ssyncadd.s32 $0xFFFFF000  }
0x57: {  	_ =	swait.ge [sflag:s23], $0x1000  }
0x58: {  	[sflag:s23] =	ssyncset.done $0x0  }
0x59: {  	[sflag:s23] =	ssyncadd.s32 $0xFFFFF000  }
0x5a: {  	_ =	swait.ge [sflag:s23], $0x1000  }
0x5b: {  	[sflag:s23] =	ssyncset.done $0x0  }
0x5c: {  	[sflag:s23] =	ssyncadd.s32 $0xFFFFF000  }
0x5d: {  	_ =	swait.ge [sflag:s23], $0x1000  }
0x5e: {  	[sflag:s23] =	ssyncset.done $0x0  }
0x5f: {  	[sflag:s23] =	ssyncadd.s32 $0xFFFFF000  }
0x60: {  	_ =	swait.ge [sflag:s23], $0x1000  }
0x61: {  	[sflag:s23] =	ssyncset.done $0x0  }
0x62: {  	[sflag:s23] =	ssyncadd.s32 $0xFFFFF000  }
0x63: {  	_ =	swait.ge [sflag:s23], $0x1000  }
0x64: {  	[sflag:s23] =	ssyncset.done $0x0  }
0x65: {  	[sflag:s23] =	ssyncadd.s32 $0xFFFFF000  }
0x66: {  	_ =	swait.ge [sflag:s23], $0x1000  }
0x67: {  	[sflag:s23] =	ssyncset.done $0x0  }
0x68: {  	[sflag:s23] =	ssyncadd.s32 $0xFFFFF000  }
0x69: {  	_ =	swait.ge [sflag:s23], $0x1000  }
.Ltmp0:
0x6a: {  	[sflag:s23] =	ssyncset.done $0x0;
	(pc) =	sbr.rel @p0 .LBB2_2-.Ltmp0, $4  }
0x6b: {  	[sflag:s23] =	ssyncadd.s32 $0xFFFFF000  }
0x6c: {  	[hbm4b:s25+s2] =	stream.linear.scatter [tilespmem:s9], [sflag:$0x2], $0x8000, $0x38;
	[tilespmem:$0x8400] =	vst v63  }
0x6d: {  	_ =	swait.ge [sflag:s7], $0x8000  }
0x6e: {  	s29 =	smov.u32 s28;
	s25 =	sadd.s32 $0x1000, s25;
	[sflag:s7] =	ssyncset.done $0x0  }
0x6f: {  	s26 =	sadd.s32 s26, s6;
	[sflag:s7] =	ssyncadd.s32 $0xFFFF8000  }
0x70: {  	[tilespmem:s2], [sflag:$0x2] =	stream.linear.gather [hbm4b:s26+s2], $0x400, $0x38;
	[tilespmem:$0x8400] =	vst v63  }
0x71: {  	_ =	swait.ge [sflag:s7], $0x400  }
0x72: {  	[sflag:s7] =	ssyncset.done $0x0  }
0x73: {  	[sflag:s7] =	ssyncadd.s32 $0xFFFFFC00  }
0x74: {  	[tilespmem:s9], [sflag:$0x1] =	stream.indirect.gather [hbm4b:s3+s8], $0x20, s2, s8, $0xb8;
	[tilespmem:$0x8400] =	vst v63  }
0x75: {  	_ = 	snop  }
0x76: {  	[tilespmem:s10], [sflag:$0x1] =	stream.indirect.gather [hbm4b:s3+s8], $0x20, s8, s8, $0xb8;
	[tilespmem:$0x8400] =	vst v63  }
0x77: {  	_ = 	snop  }
0x78: {  	[tilespmem:s12], [sflag:$0x1] =	stream.indirect.gather [hbm4b:s3+s8], $0x20, s11, s8, $0xb8;
	[tilespmem:$0x8400] =	vst v63  }
0x79: {  	_ = 	snop  }
0x7a: {  	[tilespmem:s14], [sflag:$0x1] =	stream.indirect.gather [hbm4b:s3+s8], $0x20, s13, s8, $0xb8;
	[tilespmem:$0x8400] =	vst v63  }
0x7b: {  	_ = 	snop  }
0x7c: {  	[tilespmem:s16], [sflag:$0x1] =	stream.indirect.gather [hbm4b:s3+s8], $0x20, s15, s8, $0xb8;
	[tilespmem:$0x8400] =	vst v63  }
0x7d: {  	_ = 	snop  }
0x7e: {  	[tilespmem:s18], [sflag:$0x1] =	stream.indirect.gather [hbm4b:s3+s8], $0x20, s17, s8, $0xb8;
	[tilespmem:$0x8400] =	vst v63  }
0x7f: {  	_ = 	snop  }
0x80: {  	[tilespmem:s20], [sflag:$0x1] =	stream.indirect.gather [hbm4b:s3+s8], $0x20, s19, s8, $0xb8;
	[tilespmem:$0x8400] =	vst v63  }
0x81: {  	_ = 	snop  }
0x82: {  	[tilespmem:s22], [sflag:$0x1] =	stream.indirect.gather [hbm4b:s3+s8], $0x20, s21, s8, $0xb8;
	[tilespmem:$0x8400] =	vst v63  }
0x83: {  	_ =	swait.ge [sflag:s23], $0x1000  }
0x84: {  	[sflag:s23] =	ssyncset.done $0x0  }
0x85: {  	[sflag:s23] =	ssyncadd.s32 $0xFFFFF000  }
0x86: {  	_ =	swait.ge [sflag:s23], $0x1000  }
0x87: {  	[sflag:s23] =	ssyncset.done $0x0  }
0x88: {  	[sflag:s23] =	ssyncadd.s32 $0xFFFFF000  }
0x89: {  	_ =	swait.ge [sflag:s23], $0x1000  }
0x8a: {  	[sflag:s23] =	ssyncset.done $0x0  }
0x8b: {  	[sflag:s23] =	ssyncadd.s32 $0xFFFFF000  }
0x8c: {  	_ =	swait.ge [sflag:s23], $0x1000  }
0x8d: {  	[sflag:s23] =	ssyncset.done $0x0  }
0x8e: {  	[sflag:s23] =	ssyncadd.s32 $0xFFFFF000  }
0x8f: {  	_ =	swait.ge [sflag:s23], $0x1000  }
0x90: {  	[sflag:s23] =	ssyncset.done $0x0  }
0x91: {  	[sflag:s23] =	ssyncadd.s32 $0xFFFFF000  }
0x92: {  	_ =	swait.ge [sflag:s23], $0x1000  }
0x93: {  	[sflag:s23] =	ssyncset.done $0x0  }
0x94: {  	[sflag:s23] =	ssyncadd.s32 $0xFFFFF000  }
0x95: {  	_ =	swait.ge [sflag:s23], $0x1000  }
0x96: {  	[sflag:s23] =	ssyncset.done $0x0  }
0x97: {  	[sflag:s23] =	ssyncadd.s32 $0xFFFFF000  }
0x98: {  	s24 =	sadd.s32 $0x1, s24;
	_ =	swait.ge [sflag:s23], $0x1000  }
0x99: {  	p0 =	sne.s32 s24, s4;
	[sflag:s23] =	ssyncset.done $0x0  }
.Ltmp1:
0x9a: {  	[sflag:s23] =	ssyncadd.s32 $0xFFFFF000;
	(pc) =	sbr.rel @p0 .LBB2_1-.Ltmp1, $4  }
0x9b: {  	[hbm4b:s25+s2] =	stream.linear.scatter [tilespmem:s9], [sflag:$0x2], $0x8000, $0x38;
	[tilespmem:$0x8400] =	vst v63  }
0x9c: {  	_ =	swait.ge [sflag:s7], $0x8000  }
0x9d: {  	[sflag:s7] =	ssyncset.done $0x0  }
0x9e: {  	[sflag:s7] =	ssyncadd.s32 $0xFFFF8000  }
0x9f: {  	_ =	sfence.sel $0x180000  }
0xa0: {  	[bflag:$0x0] =	sbarrier.arrive $0xFFFF  }
0xa1: {  	p0 =	sne.s32 s1, $0x0;
	_ =	strace $0x90000047  }
0xa2: {  	s0 =	sadd.s32 @!p0 $0x100000, s0;
	[bflag:$0x2] =	sbarrier.arrive $0xFFFF  }
0xa3: {  	[sflag:s0] =	ssyncadd.tile.s32 @!p0 $0x1;
	_ =	shalt  }
.Lfunc_end2:
_tile_overlayer_lowered:
.L_overlay_start_2:
0xa4: {  	(tag) =	ssettag $0x2  }
0xa5: {  	s0 =	rddreg [dreg:$0x0];
	s2 =	stileid.u32  }
0xa6: {  	s1 =	rddreg [dreg:$0x1];
	p0 =	sne.s32 s2, $0x0  }
0xa7: {  	s3 =	rddreg [dreg:$0x2];
	[bflag:$0x3] =	sbarrier.arrive $0xFFFF;
	s2 =	simm.s32 @!p0 $0x1C02  }
0xa8: {  	[timem:s3], [sflag:s2] =	dma.local @!p0 [hbm:s0], s1  }
0xa9: {  	s0 =	simm.s32 @!p0 $0x2  }
0xaa: {  	_ =	swait.ge @!p0 [sflag:s0], s1  }
0xab: {  	s1 =	ssub.s32 @!p0 $0x0, s1;
	[sflag:s0] =	ssyncset.done @!p0 $0x0  }
0xac: {  	[sflag:s0] =	ssyncadd.s32 @!p0 s1  }
0xad: {  	[bflag:$0x3] =	sbarrier.arrive $0xFFFF  }
0xae: {  	_ =	shalt  }

</sc_bundles>
